<compile_context>
chip_gen: v7x
topology: tpu7x:2x2x1
jax: 0.10.2.dev20260603
libtpu: 0.0.44.dev20260713+nightly
codegen_flags: <defaults>
</compile_context>

<pallas_src>
import functools

import jax
import jax.numpy as jnp
from jax import lax
from jax.experimental import pallas as pl
from jax.experimental.pallas import tpu as pltpu
from jax.experimental.pallas import tpu_sc as plsc

_NUM_NUM = 13
_N_CAT = 6
_VOCAB = 100000
_EDIM = 16
_BATCH = 16384
_H1 = 128
_H2 = 64

_NW = 32
_ROWS_PER_W = (_N_CAT * _EDIM) // _NW


def _sc_gather_t(xT, tblT):
    mesh = plsc.VectorSubcoreMesh(core_axis_name="c", subcore_axis_name="s")

    @functools.partial(
        pl.kernel,
        mesh=mesh,
        compiler_params=pltpu.CompilerParams(
            use_tc_tiling_on_sc=True, needs_layout_passes=False
        ),
        out_type=jax.ShapeDtypeStruct((_N_CAT * _EDIM, _BATCH), jnp.float32),
        scratch_types=[
            pltpu.VMEM((_VOCAB,), jnp.float32),
            pltpu.VMEM((_BATCH,), jnp.float32),
        ],
    )
    def k(xT_hbm, tbl_hbm, out_hbm, row_v, buf_v):
        wid = lax.axis_index("s") * 2 + lax.axis_index("c")
        for i in range(_ROWS_PER_W):
            r = wid * _ROWS_PER_W + i
            t = r // _EDIM
            pltpu.sync_copy(tbl_hbm.at[r, :], row_v)
            pltpu.sync_copy(xT_hbm.at[_NUM_NUM + t, :], buf_v)

            def body(j, carry):
                idx = buf_v[pl.ds(j * 16, 16)].astype(jnp.int32)
                buf_v[pl.ds(j * 16, 16)] = plsc.load_gather(row_v, [idx])
                return carry

            lax.fori_loop(0, _BATCH // 16, body, 0)
            pltpu.sync_copy(buf_v, out_hbm.at[r, :])

    return k(xT, tblT)


def _tc_mlp_t(xT, embT, w1a, w1b, b1c, w2, b2c, w3, b3c):
    blk = 2048
    grid = _BATCH // blk
    dn = (((0,), (0,)), ((), ()))

    def body(xt, et, w1a_r, w1b_r, b1_r, w2_r, b2_r, w3_r, b3_r, o):
        xnum = xt[...][:_NUM_NUM, :]
        h = lax.dot_general(w1a_r[...], xnum, dn, preferred_element_type=jnp.float32)
        h = h + lax.dot_general(w1b_r[...], et[...], dn, preferred_element_type=jnp.float32)
        h = jnp.maximum(h + b1_r[...], 0.0)
        h = lax.dot_general(w2_r[...], h, dn, preferred_element_type=jnp.float32) + b2_r[...]
        h = jnp.maximum(h, 0.0)
        o32 = lax.dot_general(w3_r[...], h, dn, preferred_element_type=jnp.float32) + b3_r[...]
        o[...] = jax.nn.sigmoid(o32)

    full = lambda shape: pl.BlockSpec(shape, lambda i: (0, 0))
    return pl.pallas_call(
        body,
        grid=(grid,),
        in_specs=[
            pl.BlockSpec((_NUM_NUM + _N_CAT, blk), lambda i: (0, i)),
            pl.BlockSpec((_N_CAT * _EDIM, blk), lambda i: (0, i)),
            full((_NUM_NUM, _H1)),
            full((_N_CAT * _EDIM, _H1)),
            full((_H1, 1)),
            full((_H1, _H2)),
            full((_H2, 1)),
            full((_H2, 1)),
            full((1, 1)),
        ],
        out_specs=pl.BlockSpec((1, blk), lambda i: (0, i)),
        out_shape=jax.ShapeDtypeStruct((1, _BATCH), jnp.float32),
    )(xT, embT, w1a, w1b, b1c, w2, b2c, w3, b3c)


def kernel(x, tables, w1, b1, w2, b2, w3, b3):
    xT = x.T
    tblT = tables.transpose(0, 2, 1).reshape(_N_CAT * _EDIM, _VOCAB)
    embT = _sc_gather_t(xT, tblT)
    o = _tc_mlp_t(
        xT,
        embT,
        w1[:_NUM_NUM],
        w1[_NUM_NUM:],
        b1.reshape(_H1, 1),
        w2,
        b2.reshape(_H2, 1),
        w3,
        b3.reshape(1, 1),
    )
    return o.reshape(_BATCH, 1)

# --- scband reference (transcript-rebuilt; emitter-appended) ---
"""Pipeline reference for scband-embedding-nn-20272245637376 (READ-ONLY COPY).

The authoritative reference and input builder live on the scoring server;
editing this copy changes nothing except your own understanding.
"""

import jax, jax.numpy as jnp
import numpy as np

NUM_NUMERICAL = 13
N_CAT = 6
VOCAB = 100000
EDIM = 16
BATCH = 16384
D_IN = NUM_NUMERICAL + N_CAT * EDIM  # 109


def setup_inputs(seed: int = 0) -> dict:
    key = jax.random.key(seed)
    ks = jax.random.split(key, 10)
    x_num = jax.random.normal(ks[0], (BATCH, NUM_NUMERICAL), dtype=jnp.float32)
    x_cat = jax.random.randint(ks[1], (BATCH, N_CAT), 0, VOCAB).astype(jnp.float32)
    x = jnp.concatenate([x_num, x_cat], axis=1)
    tables = jax.random.normal(ks[2], (N_CAT, VOCAB, EDIM), dtype=jnp.float32)
    w1 = jax.random.normal(ks[3], (D_IN, 128), dtype=jnp.float32) * (1.0 / np.sqrt(D_IN))
    b1 = jnp.zeros((128,), dtype=jnp.float32)
    w2 = jax.random.normal(ks[4], (128, 64), dtype=jnp.float32) * (1.0 / np.sqrt(128))
    b2 = jnp.zeros((64,), dtype=jnp.float32)
    w3 = jax.random.normal(ks[5], (64, 1), dtype=jnp.float32) * (1.0 / np.sqrt(64))
    b3 = jnp.zeros((1,), dtype=jnp.float32)
    return {"x": x, "tables": tables, "w1": w1, "b1": b1, "w2": w2, "b2": b2, "w3": w3, "b3": b3}


def reference(x, tables, w1, b1, w2, b2, w3, b3):
    x_num = x[:, :NUM_NUMERICAL]
    x_cat = x[:, NUM_NUMERICAL:].astype(jnp.int32)
    embedded = [jnp.take(tables[i], x_cat[:, i], axis=0) for i in range(N_CAT)]
    emb = jnp.concatenate(embedded, axis=1)
    h = jnp.concatenate([x_num, emb], axis=1)
    h = jax.nn.relu(h @ w1 + b1)
    h = jax.nn.relu(h @ w2 + b2)
    out = jax.nn.sigmoid(h @ w3 + b3)
    return out

if __name__ == "__main__":
    import jax
    _d = setup_inputs()
    print(jax.jit(kernel)(*tuple(_d.values())))

</pallas_src>

<mosaic_0001>
#map = affine_map<(d0, d1) -> (0, 0)>
module attributes {stable_mosaic.version = 14 : i64} {
  func.func @k(%arg0: i32, %arg1: i32, %arg2: memref<19x16384xf32, #tpu.memory_space<hbm>>, %arg3: memref<96x100000xf32, #tpu.memory_space<hbm>>, %arg4: memref<96x16384xf32, #tpu.memory_space<hbm>>, %arg5: memref<100000xf32, #tpu.memory_space<vmem>>, %arg6: memref<16384xf32, #tpu.memory_space<vmem>>) attributes {dimension_semantics = [#tpu.dimension_semantics<core_parallel>, #tpu.dimension_semantics<subcore_parallel>], iteration_bounds = array<i64: 2, 16>, scalar_prefetch = 0 : i64, scratch_operands = 2 : i64, tpu.core_type = #tpu.core_type<sc_vector_subcore>, window_params = [{transform_indices = #map}, {transform_indices = #map}, {transform_indices = #map}]} {
    %mul3A = arith.constant 2 : i32
    %mul3A_0 = arith.muli %arg1, %mul3A : i32
    %add3A = arith.addi %mul3A_0, %arg0 : i32
    %mul3A_1 = arith.constant 3 : i32
    %mul3A_2 = arith.muli %add3A, %mul3A_1 : i32
    %add3A_3 = arith.constant 0 : i32
    %add3A_4 = arith.addi %mul3A_2, %add3A_3 : i32
    %jit3A = arith.constant 16 : i32
    %div3A = arith.divsi %add3A_4, %jit3A : i32
    %sign3A = arith.constant 0 : i32
    %sign3A_5 = arith.cmpi sgt, %add3A_4, %sign3A : i32
    %sign3A_6 = arith.extui %sign3A_5 : i1 to i32
    %sign3A_7 = arith.constant 0 : i32
    %sign3A_8 = arith.cmpi slt, %add3A_4, %sign3A_7 : i32
    %sign3A_9 = arith.extui %sign3A_8 : i1 to i32
    %sign3A_10 = arith.subi %sign3A_6, %sign3A_9 : i32
    %sign3A_11 = arith.constant 0 : i32
    %sign3A_12 = arith.cmpi sgt, %jit3A, %sign3A_11 : i32
    %sign3A_13 = arith.extui %sign3A_12 : i1 to i32
    %sign3A_14 = arith.constant 0 : i32
    %sign3A_15 = arith.cmpi slt, %jit3A, %sign3A_14 : i32
    %sign3A_16 = arith.extui %sign3A_15 : i1 to i32
    %sign3A_17 = arith.subi %sign3A_13, %sign3A_16 : i32
    %ne3A = arith.cmpi ne, %sign3A_10, %sign3A_17 : i32
    %rem3A = arith.remsi %add3A_4, %jit3A : i32
    %ne3A_18 = arith.constant 0 : i32
    %ne3A_19 = arith.cmpi ne, %rem3A, %ne3A_18 : i32
    %and3A = arith.andi %ne3A, %ne3A_19 : i1
    %sub3A = arith.constant 1 : i32
    %sub3A_20 = arith.subi %div3A, %sub3A : i32
    %select_n3A = arith.select %and3A, %sub3A_20, %div3A : i32
    "tpu.region"() ({
      %run_scoped3A = tpu.sem_alloc : memref<!tpu.dma_semaphore, #tpu.memory_space<semaphore_mem>>
      %dma_start3A = arith.constant 0 : i32
      %dma_start3A_100 = tpu.memref_slice %arg3[%add3A_4, %dma_start3A] : memref<96x100000xf32, #tpu.memory_space<hbm>> -> memref<1x100000xf32, #tpu.memory_space<hbm>>
      %dma_start3A_101 = tpu.memref_squeeze %dma_start3A_100 : memref<1x100000xf32, #tpu.memory_space<hbm>> -> memref<100000xf32, #tpu.memory_space<hbm>>
      %dma_start3A_102 = arith.constant 0 : i32
      %dma_start3A_103 = tpu.memref_slice %arg3[%add3A_4, %dma_start3A_102] : memref<96x100000xf32, #tpu.memory_space<hbm>> -> memref<1x100000xf32, #tpu.memory_space<hbm>>
      %dma_start3A_104 = tpu.memref_squeeze %dma_start3A_103 : memref<1x100000xf32, #tpu.memory_space<hbm>> -> memref<100000xf32, #tpu.memory_space<hbm>>
      tpu.enqueue_dma source(%dma_start3A_104 : memref<100000xf32, #tpu.memory_space<hbm>>) target(%arg5 : memref<100000xf32, #tpu.memory_space<vmem>>) target_semaphore(%run_scoped3A : memref<!tpu.dma_semaphore, #tpu.memory_space<semaphore_mem>>)
      %dma_wait3A = arith.constant 0 : i32
      %dma_wait3A_105 = tpu.memref_slice %arg3[%add3A_4, %dma_wait3A] : memref<96x100000xf32, #tpu.memory_space<hbm>> -> memref<1x100000xf32, #tpu.memory_space<hbm>>
      %dma_wait3A_106 = tpu.memref_squeeze %dma_wait3A_105 : memref<1x100000xf32, #tpu.memory_space<hbm>> -> memref<100000xf32, #tpu.memory_space<hbm>>
      %dma_wait3A_107 = arith.constant 0 : i32
      %dma_wait3A_108 = tpu.memref_slice %arg3[%add3A_4, %dma_wait3A_107] : memref<96x100000xf32, #tpu.memory_space<hbm>> -> memref<1x100000xf32, #tpu.memory_space<hbm>>
      %dma_wait3A_109 = tpu.memref_squeeze %dma_wait3A_108 : memref<1x100000xf32, #tpu.memory_space<hbm>> -> memref<100000xf32, #tpu.memory_space<hbm>>
      tpu.wait_dma2 semaphore(%run_scoped3A : memref<!tpu.dma_semaphore, #tpu.memory_space<semaphore_mem>>) src(%dma_wait3A_109 : memref<100000xf32, #tpu.memory_space<hbm>>) dst(%arg5 : memref<100000xf32, #tpu.memory_space<vmem>>)
      tpu.yield
    }) : () -> ()
    %add3A_21 = arith.constant 13 : i32
    %add3A_22 = arith.addi %add3A_21, %select_n3A : i32
    "tpu.region"() ({
      %run_scoped3A = tpu.sem_alloc : memref<!tpu.dma_semaphore, #tpu.memory_space<semaphore_mem>>
      %dma_start3A = arith.constant 0 : i32
      %dma_start3A_100 = tpu.memref_slice %arg2[%add3A_22, %dma_start3A] : memref<19x16384xf32, #tpu.memory_space<hbm>> -> memref<1x16384xf32, #tpu.memory_space<hbm>>
      %dma_start3A_101 = tpu.memref_squeeze %dma_start3A_100 : memref<1x16384xf32, #tpu.memory_space<hbm>> -> memref<16384xf32, #tpu.memory_space<hbm>>
      %dma_start3A_102 = arith.constant 0 : i32
      %dma_start3A_103 = tpu.memref_slice %arg2[%add3A_22, %dma_start3A_102] : memref<19x16384xf32, #tpu.memory_space<hbm>> -> memref<1x16384xf32, #tpu.memory_space<hbm>>
      %dma_start3A_104 = tpu.memref_squeeze %dma_start3A_103 : memref<1x16384xf32, #tpu.memory_space<hbm>> -> memref<16384xf32, #tpu.memory_space<hbm>>
      tpu.enqueue_dma source(%dma_start3A_104 : memref<16384xf32, #tpu.memory_space<hbm>>) target(%arg6 : memref<16384xf32, #tpu.memory_space<vmem>>) target_semaphore(%run_scoped3A : memref<!tpu.dma_semaphore, #tpu.memory_space<semaphore_mem>>)
      %dma_wait3A = arith.constant 0 : i32
      %dma_wait3A_105 = tpu.memref_slice %arg2[%add3A_22, %dma_wait3A] : memref<19x16384xf32, #tpu.memory_space<hbm>> -> memref<1x16384xf32, #tpu.memory_space<hbm>>
      %dma_wait3A_106 = tpu.memref_squeeze %dma_wait3A_105 : memref<1x16384xf32, #tpu.memory_space<hbm>> -> memref<16384xf32, #tpu.memory_space<hbm>>
      %dma_wait3A_107 = arith.constant 0 : i32
      %dma_wait3A_108 = tpu.memref_slice %arg2[%add3A_22, %dma_wait3A_107] : memref<19x16384xf32, #tpu.memory_space<hbm>> -> memref<1x16384xf32, #tpu.memory_space<hbm>>
      %dma_wait3A_109 = tpu.memref_squeeze %dma_wait3A_108 : memref<1x16384xf32, #tpu.memory_space<hbm>> -> memref<16384xf32, #tpu.memory_space<hbm>>
      tpu.wait_dma2 semaphore(%run_scoped3A : memref<!tpu.dma_semaphore, #tpu.memory_space<semaphore_mem>>) src(%dma_wait3A_109 : memref<16384xf32, #tpu.memory_space<hbm>>) dst(%arg6 : memref<16384xf32, #tpu.memory_space<vmem>>)
      tpu.yield
    }) : () -> ()
    %scan3A = arith.constant 0 : i32
    %scan3A_23 = arith.constant 0 : i32
    %scan3A_24 = arith.constant 1024 : i32
    %scan3A_25 = arith.addi %scan3A_23, %scan3A_24 : i32
    %scan3A_26 = arith.constant 1 : i32
    scf.for %scan3A_100 = %scan3A_23 to %scan3A_25 step %scan3A_26  : i32 {
      %mul3A_101 = arith.constant 16 : i32
      %mul3A_102 = arith.muli %scan3A_100, %mul3A_101 : i32
      %get3A = arith.index_cast %mul3A_102 : i32 to index
      %get3A_103 = tpu.vector_load %arg6[%get3A] {strides = array<i32>} : memref<16384xf32, #tpu.memory_space<vmem>>, vector<16xf32>,
      %convert_element_type3A = arith.fptosi %get3A_103 : vector<16xf32> to vector<16xi32>
      %gather3A = tpu.vector_load_idx %arg5[%convert_element_type3A] : memref<100000xf32, #tpu.memory_space<vmem>>[vector<16xi32>], vector<16xf32>,
      %mul3A_104 = arith.constant 16 : i32
      %mul3A_105 = arith.muli %scan3A_100, %mul3A_104 : i32
      %swap3A = arith.index_cast %mul3A_105 : i32 to index
      %swap3A_106 = tpu.vector_load %arg6[%swap3A] {strides = array<i32>} : memref<16384xf32, #tpu.memory_space<vmem>>, vector<16xf32>,
      tpu.vector_store %arg6[%swap3A], %gather3A {strides = array<i32>} : memref<16384xf32, #tpu.memory_space<vmem>>, vector<16xf32>,
    }
    %scan3A_27 = arith.constant 1024 : i32
    "tpu.region"() ({
      %run_scoped3A = tpu.sem_alloc : memref<!tpu.dma_semaphore, #tpu.memory_space<semaphore_mem>>
      %dma_start3A = arith.constant 0 : i32
      %dma_start3A_100 = tpu.memref_slice %arg4[%add3A_4, %dma_start3A] : memref<96x16384xf32, #tpu.memory_space<hbm>> -> memref<1x16384xf32, #tpu.memory_space<hbm>>
      %dma_start3A_101 = tpu.memref_squeeze %dma_start3A_100 : memref<1x16384xf32, #tpu.memory_space<hbm>> -> memref<16384xf32, #tpu.memory_space<hbm>>
      %dma_start3A_102 = arith.constant 0 : i32
      %dma_start3A_103 = tpu.memref_slice %arg4[%add3A_4, %dma_start3A_102] : memref<96x16384xf32, #tpu.memory_space<hbm>> -> memref<1x16384xf32, #tpu.memory_space<hbm>>
      %dma_start3A_104 = tpu.memref_squeeze %dma_start3A_103 : memref<1x16384xf32, #tpu.memory_space<hbm>> -> memref<16384xf32, #tpu.memory_space<hbm>>
      tpu.enqueue_dma source(%arg6 : memref<16384xf32, #tpu.memory_space<vmem>>) target(%dma_start3A_104 : memref<16384xf32, #tpu.memory_space<hbm>>) target_semaphore(%run_scoped3A : memref<!tpu.dma_semaphore, #tpu.memory_space<semaphore_mem>>)
      %dma_wait3A = arith.constant 0 : i32
      %dma_wait3A_105 = tpu.memref_slice %arg4[%add3A_4, %dma_wait3A] : memref<96x16384xf32, #tpu.memory_space<hbm>> -> memref<1x16384xf32, #tpu.memory_space<hbm>>
      %dma_wait3A_106 = tpu.memref_squeeze %dma_wait3A_105 : memref<1x16384xf32, #tpu.memory_space<hbm>> -> memref<16384xf32, #tpu.memory_space<hbm>>
      %dma_wait3A_107 = arith.constant 0 : i32
      %dma_wait3A_108 = tpu.memref_slice %arg4[%add3A_4, %dma_wait3A_107] : memref<96x16384xf32, #tpu.memory_space<hbm>> -> memref<1x16384xf32, #tpu.memory_space<hbm>>
      %dma_wait3A_109 = tpu.memref_squeeze %dma_wait3A_108 : memref<1x16384xf32, #tpu.memory_space<hbm>> -> memref<16384xf32, #tpu.memory_space<hbm>>
      tpu.wait_dma2 semaphore(%run_scoped3A : memref<!tpu.dma_semaphore, #tpu.memory_space<semaphore_mem>>) src(%arg6 : memref<16384xf32, #tpu.memory_space<vmem>>) dst(%dma_wait3A_109 : memref<16384xf32, #tpu.memory_space<hbm>>)
      tpu.yield
    }) : () -> ()
    %mul3A_28 = arith.constant 3 : i32
    %mul3A_29 = arith.muli %add3A, %mul3A_28 : i32
    %add3A_30 = arith.constant 1 : i32
    %add3A_31 = arith.addi %mul3A_29, %add3A_30 : i32
    %jit3A_32 = arith.constant 16 : i32
    %div3A_33 = arith.divsi %add3A_31, %jit3A_32 : i32
    %sign3A_34 = arith.constant 0 : i32
    %sign3A_35 = arith.cmpi sgt, %add3A_31, %sign3A_34 : i32
    %sign3A_36 = arith.extui %sign3A_35 : i1 to i32
    %sign3A_37 = arith.constant 0 : i32
    %sign3A_38 = arith.cmpi slt, %add3A_31, %sign3A_37 : i32
    %sign3A_39 = arith.extui %sign3A_38 : i1 to i32
    %sign3A_40 = arith.subi %sign3A_36, %sign3A_39 : i32
    %sign3A_41 = arith.constant 0 : i32
    %sign3A_42 = arith.cmpi sgt, %jit3A_32, %sign3A_41 : i32
    %sign3A_43 = arith.extui %sign3A_42 : i1 to i32
    %sign3A_44 = arith.constant 0 : i32
    %sign3A_45 = arith.cmpi slt, %jit3A_32, %sign3A_44 : i32
    %sign3A_46 = arith.extui %sign3A_45 : i1 to i32
    %sign3A_47 = arith.subi %sign3A_43, %sign3A_46 : i32
    %ne3A_48 = arith.cmpi ne, %sign3A_40, %sign3A_47 : i32
    %rem3A_49 = arith.remsi %add3A_31, %jit3A_32 : i32
    %ne3A_50 = arith.constant 0 : i32
    %ne3A_51 = arith.cmpi ne, %rem3A_49, %ne3A_50 : i32
    %and3A_52 = arith.andi %ne3A_48, %ne3A_51 : i1
    %sub3A_53 = arith.constant 1 : i32
    %sub3A_54 = arith.subi %div3A_33, %sub3A_53 : i32
    %select_n3A_55 = arith.select %and3A_52, %sub3A_54, %div3A_33 : i32
    "tpu.region"() ({
      %run_scoped3A = tpu.sem_alloc : memref<!tpu.dma_semaphore, #tpu.memory_space<semaphore_mem>>
      %dma_start3A = arith.constant 0 : i32
      %dma_start3A_100 = tpu.memref_slice %arg3[%add3A_31, %dma_start3A] : memref<96x100000xf32, #tpu.memory_space<hbm>> -> memref<1x100000xf32, #tpu.memory_space<hbm>>
      %dma_start3A_101 = tpu.memref_squeeze %dma_start3A_100 : memref<1x100000xf32, #tpu.memory_space<hbm>> -> memref<100000xf32, #tpu.memory_space<hbm>>
      %dma_start3A_102 = arith.constant 0 : i32
      %dma_start3A_103 = tpu.memref_slice %arg3[%add3A_31, %dma_start3A_102] : memref<96x100000xf32, #tpu.memory_space<hbm>> -> memref<1x100000xf32, #tpu.memory_space<hbm>>
      %dma_start3A_104 = tpu.memref_squeeze %dma_start3A_103 : memref<1x100000xf32, #tpu.memory_space<hbm>> -> memref<100000xf32, #tpu.memory_space<hbm>>
      tpu.enqueue_dma source(%dma_start3A_104 : memref<100000xf32, #tpu.memory_space<hbm>>) target(%arg5 : memref<100000xf32, #tpu.memory_space<vmem>>) target_semaphore(%run_scoped3A : memref<!tpu.dma_semaphore, #tpu.memory_space<semaphore_mem>>)
      %dma_wait3A = arith.constant 0 : i32
      %dma_wait3A_105 = tpu.memref_slice %arg3[%add3A_31, %dma_wait3A] : memref<96x100000xf32, #tpu.memory_space<hbm>> -> memref<1x100000xf32, #tpu.memory_space<hbm>>
      %dma_wait3A_106 = tpu.memref_squeeze %dma_wait3A_105 : memref<1x100000xf32, #tpu.memory_space<hbm>> -> memref<100000xf32, #tpu.memory_space<hbm>>
      %dma_wait3A_107 = arith.constant 0 : i32
      %dma_wait3A_108 = tpu.memref_slice %arg3[%add3A_31, %dma_wait3A_107] : memref<96x100000xf32, #tpu.memory_space<hbm>> -> memref<1x100000xf32, #tpu.memory_space<hbm>>
      %dma_wait3A_109 = tpu.memref_squeeze %dma_wait3A_108 : memref<1x100000xf32, #tpu.memory_space<hbm>> -> memref<100000xf32, #tpu.memory_space<hbm>>
      tpu.wait_dma2 semaphore(%run_scoped3A : memref<!tpu.dma_semaphore, #tpu.memory_space<semaphore_mem>>) src(%dma_wait3A_109 : memref<100000xf32, #tpu.memory_space<hbm>>) dst(%arg5 : memref<100000xf32, #tpu.memory_space<vmem>>)
      tpu.yield
    }) : () -> ()
    %add3A_56 = arith.constant 13 : i32
    %add3A_57 = arith.addi %add3A_56, %select_n3A_55 : i32
    "tpu.region"() ({
      %run_scoped3A = tpu.sem_alloc : memref<!tpu.dma_semaphore, #tpu.memory_space<semaphore_mem>>
      %dma_start3A = arith.constant 0 : i32
      %dma_start3A_100 = tpu.memref_slice %arg2[%add3A_57, %dma_start3A] : memref<19x16384xf32, #tpu.memory_space<hbm>> -> memref<1x16384xf32, #tpu.memory_space<hbm>>
      %dma_start3A_101 = tpu.memref_squeeze %dma_start3A_100 : memref<1x16384xf32, #tpu.memory_space<hbm>> -> memref<16384xf32, #tpu.memory_space<hbm>>
      %dma_start3A_102 = arith.constant 0 : i32
      %dma_start3A_103 = tpu.memref_slice %arg2[%add3A_57, %dma_start3A_102] : memref<19x16384xf32, #tpu.memory_space<hbm>> -> memref<1x16384xf32, #tpu.memory_space<hbm>>
      %dma_start3A_104 = tpu.memref_squeeze %dma_start3A_103 : memref<1x16384xf32, #tpu.memory_space<hbm>> -> memref<16384xf32, #tpu.memory_space<hbm>>
      tpu.enqueue_dma source(%dma_start3A_104 : memref<16384xf32, #tpu.memory_space<hbm>>) target(%arg6 : memref<16384xf32, #tpu.memory_space<vmem>>) target_semaphore(%run_scoped3A : memref<!tpu.dma_semaphore, #tpu.memory_space<semaphore_mem>>)
      %dma_wait3A = arith.constant 0 : i32
      %dma_wait3A_105 = tpu.memref_slice %arg2[%add3A_57, %dma_wait3A] : memref<19x16384xf32, #tpu.memory_space<hbm>> -> memref<1x16384xf32, #tpu.memory_space<hbm>>
      %dma_wait3A_106 = tpu.memref_squeeze %dma_wait3A_105 : memref<1x16384xf32, #tpu.memory_space<hbm>> -> memref<16384xf32, #tpu.memory_space<hbm>>
      %dma_wait3A_107 = arith.constant 0 : i32
      %dma_wait3A_108 = tpu.memref_slice %arg2[%add3A_57, %dma_wait3A_107] : memref<19x16384xf32, #tpu.memory_space<hbm>> -> memref<1x16384xf32, #tpu.memory_space<hbm>>
      %dma_wait3A_109 = tpu.memref_squeeze %dma_wait3A_108 : memref<1x16384xf32, #tpu.memory_space<hbm>> -> memref<16384xf32, #tpu.memory_space<hbm>>
      tpu.wait_dma2 semaphore(%run_scoped3A : memref<!tpu.dma_semaphore, #tpu.memory_space<semaphore_mem>>) src(%dma_wait3A_109 : memref<16384xf32, #tpu.memory_space<hbm>>) dst(%arg6 : memref<16384xf32, #tpu.memory_space<vmem>>)
      tpu.yield
    }) : () -> ()
    %scan3A_58 = arith.constant 0 : i32
    %scan3A_59 = arith.constant 0 : i32
    %scan3A_60 = arith.constant 1024 : i32
    %scan3A_61 = arith.addi %scan3A_59, %scan3A_60 : i32
    %scan3A_62 = arith.constant 1 : i32
    scf.for %scan3A_100 = %scan3A_59 to %scan3A_61 step %scan3A_62  : i32 {
      %mul3A_101 = arith.constant 16 : i32
      %mul3A_102 = arith.muli %scan3A_100, %mul3A_101 : i32
      %get3A = arith.index_cast %mul3A_102 : i32 to index
      %get3A_103 = tpu.vector_load %arg6[%get3A] {strides = array<i32>} : memref<16384xf32, #tpu.memory_space<vmem>>, vector<16xf32>,
      %convert_element_type3A = arith.fptosi %get3A_103 : vector<16xf32> to vector<16xi32>
      %gather3A = tpu.vector_load_idx %arg5[%convert_element_type3A] : memref<100000xf32, #tpu.memory_space<vmem>>[vector<16xi32>], vector<16xf32>,
      %mul3A_104 = arith.constant 16 : i32
      %mul3A_105 = arith.muli %scan3A_100, %mul3A_104 : i32
      %swap3A = arith.index_cast %mul3A_105 : i32 to index
      %swap3A_106 = tpu.vector_load %arg6[%swap3A] {strides = array<i32>} : memref<16384xf32, #tpu.memory_space<vmem>>, vector<16xf32>,
      tpu.vector_store %arg6[%swap3A], %gather3A {strides = array<i32>} : memref<16384xf32, #tpu.memory_space<vmem>>, vector<16xf32>,
    }
    %scan3A_63 = arith.constant 1024 : i32
    "tpu.region"() ({
      %run_scoped3A = tpu.sem_alloc : memref<!tpu.dma_semaphore, #tpu.memory_space<semaphore_mem>>
      %dma_start3A = arith.constant 0 : i32
      %dma_start3A_100 = tpu.memref_slice %arg4[%add3A_31, %dma_start3A] : memref<96x16384xf32, #tpu.memory_space<hbm>> -> memref<1x16384xf32, #tpu.memory_space<hbm>>
      %dma_start3A_101 = tpu.memref_squeeze %dma_start3A_100 : memref<1x16384xf32, #tpu.memory_space<hbm>> -> memref<16384xf32, #tpu.memory_space<hbm>>
      %dma_start3A_102 = arith.constant 0 : i32
      %dma_start3A_103 = tpu.memref_slice %arg4[%add3A_31, %dma_start3A_102] : memref<96x16384xf32, #tpu.memory_space<hbm>> -> memref<1x16384xf32, #tpu.memory_space<hbm>>
      %dma_start3A_104 = tpu.memref_squeeze %dma_start3A_103 : memref<1x16384xf32, #tpu.memory_space<hbm>> -> memref<16384xf32, #tpu.memory_space<hbm>>
      tpu.enqueue_dma source(%arg6 : memref<16384xf32, #tpu.memory_space<vmem>>) target(%dma_start3A_104 : memref<16384xf32, #tpu.memory_space<hbm>>) target_semaphore(%run_scoped3A : memref<!tpu.dma_semaphore, #tpu.memory_space<semaphore_mem>>)
      %dma_wait3A = arith.constant 0 : i32
      %dma_wait3A_105 = tpu.memref_slice %arg4[%add3A_31, %dma_wait3A] : memref<96x16384xf32, #tpu.memory_space<hbm>> -> memref<1x16384xf32, #tpu.memory_space<hbm>>
      %dma_wait3A_106 = tpu.memref_squeeze %dma_wait3A_105 : memref<1x16384xf32, #tpu.memory_space<hbm>> -> memref<16384xf32, #tpu.memory_space<hbm>>
      %dma_wait3A_107 = arith.constant 0 : i32
      %dma_wait3A_108 = tpu.memref_slice %arg4[%add3A_31, %dma_wait3A_107] : memref<96x16384xf32, #tpu.memory_space<hbm>> -> memref<1x16384xf32, #tpu.memory_space<hbm>>
      %dma_wait3A_109 = tpu.memref_squeeze %dma_wait3A_108 : memref<1x16384xf32, #tpu.memory_space<hbm>> -> memref<16384xf32, #tpu.memory_space<hbm>>
      tpu.wait_dma2 semaphore(%run_scoped3A : memref<!tpu.dma_semaphore, #tpu.memory_space<semaphore_mem>>) src(%arg6 : memref<16384xf32, #tpu.memory_space<vmem>>) dst(%dma_wait3A_109 : memref<16384xf32, #tpu.memory_space<hbm>>)
      tpu.yield
    }) : () -> ()
    %mul3A_64 = arith.constant 3 : i32
    %mul3A_65 = arith.muli %add3A, %mul3A_64 : i32
    %add3A_66 = arith.constant 2 : i32
    %add3A_67 = arith.addi %mul3A_65, %add3A_66 : i32
    %jit3A_68 = arith.constant 16 : i32
    %div3A_69 = arith.divsi %add3A_67, %jit3A_68 : i32
    %sign3A_70 = arith.constant 0 : i32
    %sign3A_71 = arith.cmpi sgt, %add3A_67, %sign3A_70 : i32
    %sign3A_72 = arith.extui %sign3A_71 : i1 to i32
    %sign3A_73 = arith.constant 0 : i32
    %sign3A_74 = arith.cmpi slt, %add3A_67, %sign3A_73 : i32
    %sign3A_75 = arith.extui %sign3A_74 : i1 to i32
    %sign3A_76 = arith.subi %sign3A_72, %sign3A_75 : i32
    %sign3A_77 = arith.constant 0 : i32
    %sign3A_78 = arith.cmpi sgt, %jit3A_68, %sign3A_77 : i32
    %sign3A_79 = arith.extui %sign3A_78 : i1 to i32
    %sign3A_80 = arith.constant 0 : i32
    %sign3A_81 = arith.cmpi slt, %jit3A_68, %sign3A_80 : i32
    %sign3A_82 = arith.extui %sign3A_81 : i1 to i32
    %sign3A_83 = arith.subi %sign3A_79, %sign3A_82 : i32
    %ne3A_84 = arith.cmpi ne, %sign3A_76, %sign3A_83 : i32
    %rem3A_85 = arith.remsi %add3A_67, %jit3A_68 : i32
    %ne3A_86 = arith.constant 0 : i32
    %ne3A_87 = arith.cmpi ne, %rem3A_85, %ne3A_86 : i32
    %and3A_88 = arith.andi %ne3A_84, %ne3A_87 : i1
    %sub3A_89 = arith.constant 1 : i32
    %sub3A_90 = arith.subi %div3A_69, %sub3A_89 : i32
    %select_n3A_91 = arith.select %and3A_88, %sub3A_90, %div3A_69 : i32
    "tpu.region"() ({
      %run_scoped3A = tpu.sem_alloc : memref<!tpu.dma_semaphore, #tpu.memory_space<semaphore_mem>>
      %dma_start3A = arith.constant 0 : i32
      %dma_start3A_100 = tpu.memref_slice %arg3[%add3A_67, %dma_start3A] : memref<96x100000xf32, #tpu.memory_space<hbm>> -> memref<1x100000xf32, #tpu.memory_space<hbm>>
      %dma_start3A_101 = tpu.memref_squeeze %dma_start3A_100 : memref<1x100000xf32, #tpu.memory_space<hbm>> -> memref<100000xf32, #tpu.memory_space<hbm>>
      %dma_start3A_102 = arith.constant 0 : i32
      %dma_start3A_103 = tpu.memref_slice %arg3[%add3A_67, %dma_start3A_102] : memref<96x100000xf32, #tpu.memory_space<hbm>> -> memref<1x100000xf32, #tpu.memory_space<hbm>>
      %dma_start3A_104 = tpu.memref_squeeze %dma_start3A_103 : memref<1x100000xf32, #tpu.memory_space<hbm>> -> memref<100000xf32, #tpu.memory_space<hbm>>
      tpu.enqueue_dma source(%dma_start3A_104 : memref<100000xf32, #tpu.memory_space<hbm>>) target(%arg5 : memref<100000xf32, #tpu.memory_space<vmem>>) target_semaphore(%run_scoped3A : memref<!tpu.dma_semaphore, #tpu.memory_space<semaphore_mem>>)
      %dma_wait3A = arith.constant 0 : i32
      %dma_wait3A_105 = tpu.memref_slice %arg3[%add3A_67, %dma_wait3A] : memref<96x100000xf32, #tpu.memory_space<hbm>> -> memref<1x100000xf32, #tpu.memory_space<hbm>>
      %dma_wait3A_106 = tpu.memref_squeeze %dma_wait3A_105 : memref<1x100000xf32, #tpu.memory_space<hbm>> -> memref<100000xf32, #tpu.memory_space<hbm>>
      %dma_wait3A_107 = arith.constant 0 : i32
      %dma_wait3A_108 = tpu.memref_slice %arg3[%add3A_67, %dma_wait3A_107] : memref<96x100000xf32, #tpu.memory_space<hbm>> -> memref<1x100000xf32, #tpu.memory_space<hbm>>
      %dma_wait3A_109 = tpu.memref_squeeze %dma_wait3A_108 : memref<1x100000xf32, #tpu.memory_space<hbm>> -> memref<100000xf32, #tpu.memory_space<hbm>>
      tpu.wait_dma2 semaphore(%run_scoped3A : memref<!tpu.dma_semaphore, #tpu.memory_space<semaphore_mem>>) src(%dma_wait3A_109 : memref<100000xf32, #tpu.memory_space<hbm>>) dst(%arg5 : memref<100000xf32, #tpu.memory_space<vmem>>)
      tpu.yield
    }) : () -> ()
    %add3A_92 = arith.constant 13 : i32
    %add3A_93 = arith.addi %add3A_92, %select_n3A_91 : i32
    "tpu.region"() ({
      %run_scoped3A = tpu.sem_alloc : memref<!tpu.dma_semaphore, #tpu.memory_space<semaphore_mem>>
      %dma_start3A = arith.constant 0 : i32
      %dma_start3A_100 = tpu.memref_slice %arg2[%add3A_93, %dma_start3A] : memref<19x16384xf32, #tpu.memory_space<hbm>> -> memref<1x16384xf32, #tpu.memory_space<hbm>>
      %dma_start3A_101 = tpu.memref_squeeze %dma_start3A_100 : memref<1x16384xf32, #tpu.memory_space<hbm>> -> memref<16384xf32, #tpu.memory_space<hbm>>
      %dma_start3A_102 = arith.constant 0 : i32
      %dma_start3A_103 = tpu.memref_slice %arg2[%add3A_93, %dma_start3A_102] : memref<19x16384xf32, #tpu.memory_space<hbm>> -> memref<1x16384xf32, #tpu.memory_space<hbm>>
      %dma_start3A_104 = tpu.memref_squeeze %dma_start3A_103 : memref<1x16384xf32, #tpu.memory_space<hbm>> -> memref<16384xf32, #tpu.memory_space<hbm>>
      tpu.enqueue_dma source(%dma_start3A_104 : memref<16384xf32, #tpu.memory_space<hbm>>) target(%arg6 : memref<16384xf32, #tpu.memory_space<vmem>>) target_semaphore(%run_scoped3A : memref<!tpu.dma_semaphore, #tpu.memory_space<semaphore_mem>>)
      %dma_wait3A = arith.constant 0 : i32
      %dma_wait3A_105 = tpu.memref_slice %arg2[%add3A_93, %dma_wait3A] : memref<19x16384xf32, #tpu.memory_space<hbm>> -> memref<1x16384xf32, #tpu.memory_space<hbm>>
      %dma_wait3A_106 = tpu.memref_squeeze %dma_wait3A_105 : memref<1x16384xf32, #tpu.memory_space<hbm>> -> memref<16384xf32, #tpu.memory_space<hbm>>
      %dma_wait3A_107 = arith.constant 0 : i32
      %dma_wait3A_108 = tpu.memref_slice %arg2[%add3A_93, %dma_wait3A_107] : memref<19x16384xf32, #tpu.memory_space<hbm>> -> memref<1x16384xf32, #tpu.memory_space<hbm>>
      %dma_wait3A_109 = tpu.memref_squeeze %dma_wait3A_108 : memref<1x16384xf32, #tpu.memory_space<hbm>> -> memref<16384xf32, #tpu.memory_space<hbm>>
      tpu.wait_dma2 semaphore(%run_scoped3A : memref<!tpu.dma_semaphore, #tpu.memory_space<semaphore_mem>>) src(%dma_wait3A_109 : memref<16384xf32, #tpu.memory_space<hbm>>) dst(%arg6 : memref<16384xf32, #tpu.memory_space<vmem>>)
      tpu.yield
    }) : () -> ()
    %scan3A_94 = arith.constant 0 : i32
    %scan3A_95 = arith.constant 0 : i32
    %scan3A_96 = arith.constant 1024 : i32
    %scan3A_97 = arith.addi %scan3A_95, %scan3A_96 : i32
    %scan3A_98 = arith.constant 1 : i32
    scf.for %scan3A_100 = %scan3A_95 to %scan3A_97 step %scan3A_98  : i32 {
      %mul3A_101 = arith.constant 16 : i32
      %mul3A_102 = arith.muli %scan3A_100, %mul3A_101 : i32
      %get3A = arith.index_cast %mul3A_102 : i32 to index
      %get3A_103 = tpu.vector_load %arg6[%get3A] {strides = array<i32>} : memref<16384xf32, #tpu.memory_space<vmem>>, vector<16xf32>,
      %convert_element_type3A = arith.fptosi %get3A_103 : vector<16xf32> to vector<16xi32>
      %gather3A = tpu.vector_load_idx %arg5[%convert_element_type3A] : memref<100000xf32, #tpu.memory_space<vmem>>[vector<16xi32>], vector<16xf32>,
      %mul3A_104 = arith.constant 16 : i32
      %mul3A_105 = arith.muli %scan3A_100, %mul3A_104 : i32
      %swap3A = arith.index_cast %mul3A_105 : i32 to index
      %swap3A_106 = tpu.vector_load %arg6[%swap3A] {strides = array<i32>} : memref<16384xf32, #tpu.memory_space<vmem>>, vector<16xf32>,
      tpu.vector_store %arg6[%swap3A], %gather3A {strides = array<i32>} : memref<16384xf32, #tpu.memory_space<vmem>>, vector<16xf32>,
    }
    %scan3A_99 = arith.constant 1024 : i32
    "tpu.region"() ({
      %run_scoped3A = tpu.sem_alloc : memref<!tpu.dma_semaphore, #tpu.memory_space<semaphore_mem>>
      %dma_start3A = arith.constant 0 : i32
      %dma_start3A_100 = tpu.memref_slice %arg4[%add3A_67, %dma_start3A] : memref<96x16384xf32, #tpu.memory_space<hbm>> -> memref<1x16384xf32, #tpu.memory_space<hbm>>
      %dma_start3A_101 = tpu.memref_squeeze %dma_start3A_100 : memref<1x16384xf32, #tpu.memory_space<hbm>> -> memref<16384xf32, #tpu.memory_space<hbm>>
      %dma_start3A_102 = arith.constant 0 : i32
      %dma_start3A_103 = tpu.memref_slice %arg4[%add3A_67, %dma_start3A_102] : memref<96x16384xf32, #tpu.memory_space<hbm>> -> memref<1x16384xf32, #tpu.memory_space<hbm>>
      %dma_start3A_104 = tpu.memref_squeeze %dma_start3A_103 : memref<1x16384xf32, #tpu.memory_space<hbm>> -> memref<16384xf32, #tpu.memory_space<hbm>>
      tpu.enqueue_dma source(%arg6 : memref<16384xf32, #tpu.memory_space<vmem>>) target(%dma_start3A_104 : memref<16384xf32, #tpu.memory_space<hbm>>) target_semaphore(%run_scoped3A : memref<!tpu.dma_semaphore, #tpu.memory_space<semaphore_mem>>)
      %dma_wait3A = arith.constant 0 : i32
      %dma_wait3A_105 = tpu.memref_slice %arg4[%add3A_67, %dma_wait3A] : memref<96x16384xf32, #tpu.memory_space<hbm>> -> memref<1x16384xf32, #tpu.memory_space<hbm>>
      %dma_wait3A_106 = tpu.memref_squeeze %dma_wait3A_105 : memref<1x16384xf32, #tpu.memory_space<hbm>> -> memref<16384xf32, #tpu.memory_space<hbm>>
      %dma_wait3A_107 = arith.constant 0 : i32
      %dma_wait3A_108 = tpu.memref_slice %arg4[%add3A_67, %dma_wait3A_107] : memref<96x16384xf32, #tpu.memory_space<hbm>> -> memref<1x16384xf32, #tpu.memory_space<hbm>>
      %dma_wait3A_109 = tpu.memref_squeeze %dma_wait3A_108 : memref<1x16384xf32, #tpu.memory_space<hbm>> -> memref<16384xf32, #tpu.memory_space<hbm>>
      tpu.wait_dma2 semaphore(%run_scoped3A : memref<!tpu.dma_semaphore, #tpu.memory_space<semaphore_mem>>) src(%arg6 : memref<16384xf32, #tpu.memory_space<vmem>>) dst(%dma_wait3A_109 : memref<16384xf32, #tpu.memory_space<hbm>>)
      tpu.yield
    }) : () -> ()
    return
  }
}

module attributes {stable_mosaic.version = 14 : i64} {
  func.func @body(%arg0: i32, %arg1: memref<19x2048xf32, #tpu.memory_space<vmem>>, %arg2: memref<96x2048xf32, #tpu.memory_space<vmem>>, %arg3: memref<13x128xf32, #tpu.memory_space<vmem>>, %arg4: memref<96x128xf32, #tpu.memory_space<vmem>>, %arg5: memref<128x1xf32, #tpu.memory_space<vmem>>, %arg6: memref<128x64xf32, #tpu.memory_space<vmem>>, %arg7: memref<64x1xf32, #tpu.memory_space<vmem>>, %arg8: memref<64x1xf32, #tpu.memory_space<vmem>>, %arg9: memref<1x1xf32, #tpu.memory_space<vmem>>, %arg10: memref<1x2048xf32, #tpu.memory_space<vmem>>) attributes {dimension_semantics = [#tpu.dimension_semantics<arbitrary>], iteration_bounds = array<i64: 8>, scalar_prefetch = 0 : i64, scratch_operands = 0 : i64, tpu.core_type = #tpu.core_type<tc>, window_params = [{transform_indices = @transform_0, window_bounds = array<i64: 19, 2048>}, {transform_indices = @transform_1, window_bounds = array<i64: 96, 2048>}, {pipeline_mode = #tpu.pipeline_mode<synchronous>, transform_indices = @transform_2, window_bounds = array<i64: 13, 128>}, {pipeline_mode = #tpu.pipeline_mode<synchronous>, transform_indices = @transform_3, window_bounds = array<i64: 96, 128>}, {pipeline_mode = #tpu.pipeline_mode<synchronous>, transform_indices = @transform_4, window_bounds = array<i64: 128, 1>}, {pipeline_mode = #tpu.pipeline_mode<synchronous>, transform_indices = @transform_5, window_bounds = array<i64: 128, 64>}, {pipeline_mode = #tpu.pipeline_mode<synchronous>, transform_indices = @transform_6, window_bounds = array<i64: 64, 1>}, {pipeline_mode = #tpu.pipeline_mode<synchronous>, transform_indices = @transform_7, window_bounds = array<i64: 64, 1>}, {pipeline_mode = #tpu.pipeline_mode<synchronous>, transform_indices = @transform_8, window_bounds = array<i64: 1, 1>}, {transform_indices = @transform_9, window_bounds = array<i64: 1, 2048>}]} {
    %get3A = arith.constant 0 : index
    %get3A_0 = arith.constant 0 : index
    %get3A_1 = vector.load %arg1[%get3A, %get3A_0] : memref<19x2048xf32, #tpu.memory_space<vmem>>, vector<19x2048xf32>
    %slice3A = vector.extract_strided_slice %get3A_1 {offsets = [0, 0], sizes = [13, 2048], strides = [1, 1]} : vector<19x2048xf32> to vector<13x2048xf32>
    %get3A_2 = arith.constant 0 : index
    %get3A_3 = arith.constant 0 : index
    %get3A_4 = vector.load %arg3[%get3A_2, %get3A_3] : memref<13x128xf32, #tpu.memory_space<vmem>>, vector<13x128xf32>
    %dot_general3A = arith.constant dense<0.000000e+00> : vector<128x2048xf32>
    %dot_general3A_5 = tpu.matmul %get3A_4, %slice3A, %dot_general3A {dimension_numbers = #tpu.dot_dimension_numbers<[0], [0], [1], [1], [0, 1, 1, 1], [], []>, transpose_lhs_hint = false} : vector<13x128xf32>, vector<13x2048xf32>, vector<128x2048xf32> -> vector<128x2048xf32>
    %get3A_6 = arith.constant 0 : index
    %get3A_7 = arith.constant 0 : index
    %get3A_8 = vector.load %arg4[%get3A_6, %get3A_7] : memref<96x128xf32, #tpu.memory_space<vmem>>, vector<96x128xf32>
    %get3A_9 = arith.constant 0 : index
    %get3A_10 = arith.constant 0 : index
    %get3A_11 = vector.load %arg2[%get3A_9, %get3A_10] : memref<96x2048xf32, #tpu.memory_space<vmem>>, vector<96x2048xf32>
    %dot_general3A_12 = arith.constant dense<0.000000e+00> : vector<128x2048xf32>
    %dot_general3A_13 = tpu.matmul %get3A_8, %get3A_11, %dot_general3A_12 {dimension_numbers = #tpu.dot_dimension_numbers<[0], [0], [1], [1], [0, 1, 1, 1], [], []>, transpose_lhs_hint = false} : vector<96x128xf32>, vector<96x2048xf32>, vector<128x2048xf32> -> vector<128x2048xf32>
    %add3A = arith.addf %dot_general3A_5, %dot_general3A_13 : vector<128x2048xf32>
    %get3A_14 = arith.constant 0 : index
    %get3A_15 = arith.constant 0 : index
    %get3A_16 = vector.load %arg5[%get3A_14, %get3A_15] : memref<128x1xf32, #tpu.memory_space<vmem>>, vector<128x1xf32>
    %add3A_17 = vector.broadcast %get3A_16 : vector<128x1xf32> to vector<128x2048xf32>
    %add3A_18 = arith.addf %add3A, %add3A_17 : vector<128x2048xf32>
    %max3A = arith.constant 0.000000e+00 : f32
    %max3A_19 = vector.broadcast %max3A : f32 to vector<128x2048xf32>
    %max3A_20 = arith.maximumf %add3A_18, %max3A_19 : vector<128x2048xf32>
    %get3A_21 = arith.constant 0 : index
    %get3A_22 = arith.constant 0 : index
    %get3A_23 = vector.load %arg6[%get3A_21, %get3A_22] : memref<128x64xf32, #tpu.memory_space<vmem>>, vector<128x64xf32>
    %dot_general3A_24 = arith.constant dense<0.000000e+00> : vector<64x2048xf32>
    %dot_general3A_25 = tpu.matmul %get3A_23, %max3A_20, %dot_general3A_24 {dimension_numbers = #tpu.dot_dimension_numbers<[0], [0], [1], [1], [0, 1, 1, 1], [], []>, transpose_lhs_hint = false} : vector<128x64xf32>, vector<128x2048xf32>, vector<64x2048xf32> -> vector<64x2048xf32>
    %get3A_26 = arith.constant 0 : index
    %get3A_27 = arith.constant 0 : index
    %get3A_28 = vector.load %arg7[%get3A_26, %get3A_27] : memref<64x1xf32, #tpu.memory_space<vmem>>, vector<64x1xf32>
    %add3A_29 = vector.broadcast %get3A_28 : vector<64x1xf32> to vector<64x2048xf32>
    %add3A_30 = arith.addf %dot_general3A_25, %add3A_29 : vector<64x2048xf32>
    %max3A_31 = arith.constant 0.000000e+00 : f32
    %max3A_32 = vector.broadcast %max3A_31 : f32 to vector<64x2048xf32>
    %max3A_33 = arith.maximumf %add3A_30, %max3A_32 : vector<64x2048xf32>
    %get3A_34 = arith.constant 0 : index
    %get3A_35 = arith.constant 0 : index
    %get3A_36 = vector.load %arg8[%get3A_34, %get3A_35] : memref<64x1xf32, #tpu.memory_space<vmem>>, vector<64x1xf32>
    %dot_general3A_37 = arith.constant dense<0.000000e+00> : vector<1x2048xf32>
    %dot_general3A_38 = tpu.matmul %get3A_36, %max3A_33, %dot_general3A_37 {dimension_numbers = #tpu.dot_dimension_numbers<[0], [0], [1], [1], [0, 1, 1, 1], [], []>, transpose_lhs_hint = false} : vector<64x1xf32>, vector<64x2048xf32>, vector<1x2048xf32> -> vector<1x2048xf32>
    %get3A_39 = arith.constant 0 : index
    %get3A_40 = arith.constant 0 : index
    %get3A_41 = vector.load %arg9[%get3A_39, %get3A_40] : memref<1x1xf32, #tpu.memory_space<vmem>>, vector<1x1xf32>
    %add3A_42 = vector.broadcast %get3A_41 : vector<1x1xf32> to vector<1x2048xf32>
    %add3A_43 = arith.addf %dot_general3A_38, %add3A_42 : vector<1x2048xf32>
    %logistic3A = arith.negf %add3A_43 : vector<1x2048xf32>
    %logistic3A_44 = math.exp %logistic3A : vector<1x2048xf32>
    %logistic3A_45 = arith.constant 1.000000e+00 : f32
    %logistic3A_46 = vector.broadcast %logistic3A_45 : f32 to vector<1x2048xf32>
    %logistic3A_47 = arith.addf %logistic3A_46, %logistic3A_44 : vector<1x2048xf32>
    %logistic3A_48 = arith.divf %logistic3A_46, %logistic3A_47 : vector<1x2048xf32>
    %swap3A = arith.constant 0 : index
    %swap3A_49 = arith.constant 0 : index
    %swap3A_50 = vector.load %arg10[%swap3A, %swap3A_49] : memref<1x2048xf32, #tpu.memory_space<vmem>>, vector<1x2048xf32>
    tpu.vector_store %arg10[%swap3A, %swap3A_49], %logistic3A_48 {strides = array<i32>} : memref<1x2048xf32, #tpu.memory_space<vmem>>, vector<1x2048xf32>,
    return
  }
  func.func @transform_0(%arg0: i32) -> (i32, i32) {
    %c0_i32 = arith.constant 0 : i32
    %c0_i32_0 = arith.constant 0 : i32
    return %c0_i32, %arg0 : i32, i32
  }
  func.func @transform_1(%arg0: i32) -> (i32, i32) {
    %c0_i32 = arith.constant 0 : i32
    %c0_i32_0 = arith.constant 0 : i32
    return %c0_i32, %arg0 : i32, i32
  }
  func.func @transform_2(%arg0: i32) -> (i32, i32) {
    %c0_i32 = arith.constant 0 : i32
    %c0_i32_0 = arith.constant 0 : i32
    %c0_i32_1 = arith.constant 0 : i32
    return %c0_i32, %c0_i32_0 : i32, i32
  }
  func.func @transform_3(%arg0: i32) -> (i32, i32) {
    %c0_i32 = arith.constant 0 : i32
    %c0_i32_0 = arith.constant 0 : i32
    %c0_i32_1 = arith.constant 0 : i32
    return %c0_i32, %c0_i32_0 : i32, i32
  }
  func.func @transform_4(%arg0: i32) -> (i32, i32) {
    %c0_i32 = arith.constant 0 : i32
    %c0_i32_0 = arith.constant 0 : i32
    %c0_i32_1 = arith.constant 0 : i32
    return %c0_i32, %c0_i32_0 : i32, i32
  }
  func.func @transform_5(%arg0: i32) -> (i32, i32) {
    %c0_i32 = arith.constant 0 : i32
    %c0_i32_0 = arith.constant 0 : i32
    %c0_i32_1 = arith.constant 0 : i32
    return %c0_i32, %c0_i32_0 : i32, i32
  }
  func.func @transform_6(%arg0: i32) -> (i32, i32) {
    %c0_i32 = arith.constant 0 : i32
    %c0_i32_0 = arith.constant 0 : i32
    %c0_i32_1 = arith.constant 0 : i32
    return %c0_i32, %c0_i32_0 : i32, i32
  }
  func.func @transform_7(%arg0: i32) -> (i32, i32) {
    %c0_i32 = arith.constant 0 : i32
    %c0_i32_0 = arith.constant 0 : i32
    %c0_i32_1 = arith.constant 0 : i32
    return %c0_i32, %c0_i32_0 : i32, i32
  }
  func.func @transform_8(%arg0: i32) -> (i32, i32) {
    %c0_i32 = arith.constant 0 : i32
    %c0_i32_0 = arith.constant 0 : i32
    %c0_i32_1 = arith.constant 0 : i32
    return %c0_i32, %c0_i32_0 : i32, i32
  }
  func.func @transform_9(%arg0: i32) -> (i32, i32) {
    %c0_i32 = arith.constant 0 : i32
    %c0_i32_0 = arith.constant 0 : i32
    return %c0_i32, %arg0 : i32, i32
  }
}

</mosaic_0001>

<sc_bundles>
// kernel: kernel.4.cloned.1.call-start
scs
__scs_entry_jumppad:
0x0: {  	(pc) =	sbr.rel $0x88, $3  }
0x1: {  	(tag) =	ssettag $0x0;
	lr =	simm.s32 $0x1  }
0x2: {  	[smem:$0x3F99] =	sst lr;
	_ =	strace $0xD0000000  }
0x3: {  	_ = 	snop  }
0x4: {  	_ = 	snop  }
0x5: {  	_ = 	snop  }
0x6: {  	_ = 	snop  }
0x7: {  	_ = 	snop  }
__scs_overlays_trampoline_lowered:
0x8: {  	[smem:$0x3FA8] =	sst s0  }
0x9: {  	[smem:$0x3FA9] =	sst s1  }
0xa: {  	[smem:$0x3FAA] =	sst s2  }
0xb: {  	[smem:$0x3FAB] =	sst s3  }
0xc: {  	[smem:$0x3FAC] =	sst s4  }
0xd: {  	[smem:$0x3FAD] =	sst s5  }
0xe: {  	[smem:$0x3FAE] =	sst s6  }
0xf: {  	[smem:$0x3FAF] =	sst s7  }
0x10: {  	[smem:$0x3FB0] =	sst s8  }
0x11: {  	[smem:$0x3FB1] =	sst s9;
	s0 =	simm.s32 @!p0 $0x0  }
0x12: {  	s1 =	sld [smem:$0x3F97];
	s0 =	simm.s32 @p0 $0x1  }
0x13: {  	[smem:$0x3FB2] =	sst s0;
	s0 =	simm.s32 @!p1 $0x0  }
0x14: {  	s2 =	sld [smem:$0x3F96];
	s0 =	simm.s32 @p1 $0x1  }
0x15: {  	[smem:$0x3FB3] =	sst s0;
	s0 =	simm.s32 @!p2 $0x0  }
0x16: {  	s3 =	sld [smem:$0x3FDB];
	s0 =	simm.s32 @p2 $0x1  }
0x17: {  	s4 =	simm.s32 $0x1BF5;
	[smem:$0x3FB5] =	sst s0  }
0x18: {  	s0 =	sld [smem:$0x3F98];
	_ =	swait.ge [sflag:s4], $0x0  }
0x19: {  	s7 =	sld [smem:$0x3F99]  }
0x1a: {  	s8 =	sadd.s32 $0xFFFFE003, lr  }
0x1b: {  	s9 =	sadd.s32 $0xFFFFFEF7, lr;
	s5 =	simm.s32 $0xFFFFFFFF;
	p2 =	slt.u32 s8, $0xFFFFF086  }
0x1c: {  	p1 =	slt.u32 s9, $0xF7A;
	s5 =	simm.s32 @!p2 $0x0  }
0x1d: {  	s5 =	simm.s32 @p1 $0x1;
	p0 =	seq.s32 s7, s2  }
0x1e: {  	s7 =	smul.u32 @!p0 $0xF7A, s2;
	p2 =	seq.s32 @!p0 s5, $0x0  }
0x1f: {  	s9 =	smul.u32 $0xF7A, s1;
	s8 =	simm.s32 @!p0 $0x1BF5;
	p2 =	por !p2, p0  }
0x20: {  	[sflag:s8] =	ssyncset.s32 @!p0 $0xFFFFF086;
	s6 =	sadd.s32 @!p0 s3, s7;
	s7 =	simm.s32 @!p0 $0x108  }
0x21: {  	s3 =	sadd.s32 s3, s9;
	s6 =	sadd.s32 @!p0 $0x88, s6;
	s7 =	simm.s32 @p2 $0x1082  }
0x22: {  	[simem:s7], [sflag:s8] =	dma.local @!p0 [hbm:s6], $0xF7A  }
0x23: {  	s9 =	sor.u32 $0xD0000000, s2;
	s6 =	simm.s32 $0x108;
	_ =	swait.ge @!p0 [sflag:s8], $0x0  }
0x24: {  	s3 =	sadd.s32 $0x88, s3;
	s6 =	simm.s32 @!p1 $0x1082;
	[sflag:s4] =	ssyncset.s32 $0xFFFFF086  }
0x25: {  	[simem:s6], [sflag:s4] =	dma.local [hbm:s3], $0xF7A  }
0x26: {  	[smem:$0x3F99] =	sst s1;
	(tag) =	ssettag s2;
	_ =	strace s9  }
0x27: {  	s1 =	sld [smem:$0x3FA9]  }
0x28: {  	s2 =	sld [smem:$0x3FAA]  }
0x29: {  	s4 =	sld [smem:$0x3FAC]  }
0x2a: {  	p0 =	seq.s32 s5, $0x0;
	s5 =	sld [smem:$0x3FAD]  }
0x2b: {  	s6 =	sld [smem:$0x3FAE]  }
0x2c: {  	s7 =	sld [smem:$0x3FAF]  }
0x2d: {  	s3 =	simm.s32 $0x108;
	s8 =	sld [smem:$0x3FB0]  }
0x2e: {  	s3 =	simm.s32 @!p0 $0x1082;
	s9 =	sld [smem:$0x3FB1]  }
0x2f: {  	lr =	sadd.s32 s0, s3;
	s0 =	sld [smem:$0x3FA8]  }
0x30: {  	s3 =	sld [smem:$0x3FAB]  }
0x31: {  	[smem:$0x3FB4] =	sst s10  }
0x32: {  	s10 =	sld [smem:$0x3FB2];
	_ =	sdelay $0x3  }
0x33: {  	p0 =	seq.s32 s10, $0x1;
	s10 =	sld [smem:$0x3FB4];
	_ =	sdelay $0x3  }
0x34: {  	[smem:$0x3FB4] =	sst s10  }
0x35: {  	s10 =	sld [smem:$0x3FB3];
	_ =	sdelay $0x3  }
0x36: {  	p1 =	seq.s32 s10, $0x1;
	s10 =	sld [smem:$0x3FB4];
	_ =	sdelay $0x3  }
0x37: {  	[smem:$0x3FB4] =	sst s10  }
0x38: {  	s10 =	sld [smem:$0x3FB5]  }
0x39: {  	_ = 	snop;
	(pc) =	sbr.ind lr, $3  }
0x3a: {  	_ = 	snop  }
0x3b: {  	_ = 	snop  }
0x3c: {  	p2 =	seq.s32 s10, $0x1;
	s10 =	sld [smem:$0x3FB4]  }
0x3d: {  	_ =	shalt  }
0x3e: {  	_ =	shalt  }
0x3f: {  	_ =	shalt  }
0x40: {  	_ =	shalt  }
0x41: {  	_ =	shalt  }
0x42: {  	_ =	shalt  }
0x43: {  	_ =	shalt  }
0x44: {  	_ =	shalt  }
0x45: {  	_ =	shalt  }
0x46: {  	_ =	shalt  }
0x47: {  	_ =	shalt  }
0x48: {  	_ =	shalt  }
0x49: {  	_ =	shalt  }
0x4a: {  	_ =	shalt  }
0x4b: {  	_ =	shalt  }
0x4c: {  	_ =	shalt  }
0x4d: {  	_ =	shalt  }
0x4e: {  	_ =	shalt  }
0x4f: {  	_ =	shalt  }
0x50: {  	_ =	shalt  }
0x51: {  	_ =	shalt  }
0x52: {  	_ =	shalt  }
0x53: {  	_ =	shalt  }
0x54: {  	_ =	shalt  }
0x55: {  	_ =	shalt  }
0x56: {  	_ =	shalt  }
0x57: {  	_ =	shalt  }
0x58: {  	_ =	shalt  }
0x59: {  	_ =	shalt  }
0x5a: {  	_ =	shalt  }
0x5b: {  	_ =	shalt  }
0x5c: {  	_ =	shalt  }
0x5d: {  	_ =	shalt  }
0x5e: {  	_ =	shalt  }
0x5f: {  	_ =	shalt  }
0x60: {  	_ =	shalt  }
0x61: {  	_ =	shalt  }
0x62: {  	_ =	shalt  }
0x63: {  	_ =	shalt  }
0x64: {  	_ =	shalt  }
0x65: {  	_ =	shalt  }
0x66: {  	_ =	shalt  }
0x67: {  	_ =	shalt  }
0x68: {  	_ =	shalt  }
0x69: {  	_ =	shalt  }
0x6a: {  	_ =	shalt  }
0x6b: {  	_ =	shalt  }
0x6c: {  	_ =	shalt  }
0x6d: {  	_ =	shalt  }
0x6e: {  	_ =	shalt  }
0x6f: {  	_ =	shalt  }
0x70: {  	_ =	shalt  }
0x71: {  	_ =	shalt  }
0x72: {  	_ =	shalt  }
0x73: {  	_ =	shalt  }
0x74: {  	_ =	shalt  }
0x75: {  	_ =	shalt  }
0x76: {  	_ =	shalt  }
0x77: {  	_ =	shalt  }
0x78: {  	_ =	shalt  }
0x79: {  	_ =	shalt  }
0x7a: {  	_ =	shalt  }
0x7b: {  	_ =	shalt  }
0x7c: {  	_ =	shalt  }
0x7d: {  	_ =	shalt  }
0x7e: {  	_ =	shalt  }
0x7f: {  	_ =	shalt  }
0x80: {  	_ =	shalt  }
0x81: {  	_ =	shalt  }
0x82: {  	_ =	shalt  }
0x83: {  	_ =	shalt  }
0x84: {  	_ =	shalt  }
0x85: {  	_ =	shalt  }
0x86: {  	_ =	shalt  }
0x87: {  	_ =	shalt  }
.Lfunc_end0:
.L_simem_size_0:
called_computation_lowered:
.L_overlay_start_0:
0x88: {  	s2 =	sld [smem:$0x3FD9]  }
0x89: {  	s3 =	sld [smem:$0x3FFE];
	_ =	sdelay $0x1  }
0x8a: {  	s1 =	srdreg.scid  }
0x8b: {  	s0 =	sand.u32 $0x1, s1  }
0x8c: {  	s17 =	sshll.u32 s0, $0xA;
	s2 =	sadd.s32 s3, s2  }
0x8d: {  	s2 =	sadd.s32 s2, s17  }
0x8e: {  	[smem:$0x3FC0] =	sst s2  }
0x8f: {  	_ = 	snop  }
0x90: {  	s2 =	sld [smem:$0x3FC9]  }
0x91: {  	s18 =	sld [smem:$0x3FC8];
	(tm) =	ssettm $0x1  }
0x92: {  	s4 =	sld [smem:$0x3FFB];
	_ =	sdelay $0x3  }
0x93: {  	_ =	strace s4  }
0x94: {  	s4 =	sld [smem:$0x3FFC];
	_ =	sdelay $0x3  }
0x95: {  	_ =	strace s4  }
0x96: {  	s4 =	sld [smem:$0x3FFD];
	_ =	sdelay $0x3  }
0x97: {  	_ =	strace s4  }
0x98: {  	_ =	strace $0x8FFFFFFF  }
0x99: {  	s19 =	sld [smem:$0x3FDB];
	_ =	sdelay $0x1  }
0x9a: {  	s5 =	simm.s32 $_scs_section_size  }
0x9b: {  	s6 =	simm.s32 $_size__tile_overlayer_lowered;
	s7 =	simm.s32 $_tile_overlayer_lowered  }
0x9c: {  	s22 =	simm.s32 $0x1BFF;
	s21 =	sshll.u32 s7, $0x1;
	s4 =	sadd.s32 s5, s19  }
0x9d: {  	s8 =	simm.s32 $0x0;
	s20 =	sshll.u32 s6, $0x1;
	s6 =	sadd.s32 s21, s4  }
0x9e: {  	[timem:s8], [sflag:s22] =	dma.local [hbm:s6], s20  }
0x9f: {  	_ =	swait.ge [sflag:s22], s20  }
0xa0: {  	s5 =	ssub.s32 $0x0, s20;
	[sflag:s22] =	ssyncset.done $0x0  }
0xa1: {  	[sflag:s22] =	ssyncadd.s32 s5;
	_ =	sdelay $0x1  }
0xa2: {  	s23 =	simm.s32 $0x1B8B  }
0xa3: {  	_ =	swait.ge [sflag:s23], $0x1  }
0xa4: {  	[sflag:s23] =	ssyncset.done $0x0  }
0xa5: {  	s25 =	simm.s32 $0x1B8E;
	s24 =	sld [smem:$0x3FFE];
	[sflag:s23] =	ssyncadd.s32 $0xFFFFFFFF  }
0xa6: {  	s26 =	simm.s32 $execute0_lowered;
	[smem:$0x3FD2] =	sst s25  }
0xa7: {  	s6 =	sshll.u32 s26, $0x1;
	_ =	strace $0x80000046;
	[dreg:$0x1] =	wrdreg $0xFFFFFFFF  }
0xa8: {  	s28 =	simm.s32 $_size_execute0_lowered;
	s4 =	sadd.s32 s4, s6;
	[dreg:$0x0] =	wrdreg $0x0  }
0xa9: {  	s6 =	sshll.u32 s28, $0x1;
	[dreg:$0x2] =	wrdreg s4  }
0xaa: {  	[dreg:$0x3] =	wrdreg s6  }
0xab: {  	[dreg:$0x4] =	wrdreg $0xC0  }
0xac: {  	_ =	task [dreg:s8], $0x5FFFF  }
0xad: {  	[dreg:$0x1] =	wrdreg $0xFFFFFFFF  }
0xae: {  	[dreg:$0x0] =	wrdreg $0x60  }
0xaf: {  	[dreg:$0x2] =	wrdreg s2  }
0xb0: {  	[dreg:$0x3] =	wrdreg s18  }
0xb1: {  	[dreg:$0x4] =	wrdreg s24  }
0xb2: {  	[dreg:$0x5] =	wrdreg $0x9  }
0xb3: {  	_ =	task.clear_ibuf [dreg:s8], $0x6FFFF;
	_ =	strace $0x90000046  }
0xb4: {  	s29 =	simm.s32 $0x9;
	_ =	strace $0x80000048  }
0xb5: {  	_ =	swait.ge [sflag:s29], $0x1  }
0xb6: {  	[sflag:s29] =	ssyncadd.s32 $0xFFFFFFFF  }
0xb7: {  	_ =	strace $0x90000048  }
0xb8: {  	_ =	sfence  }
0xb9: {  	s30 =	sld [smem:$0x0];
	_ =	sdelay $0x2  }
0xba: {  	s31 =	sshll.u32 s1, $0xD;
	s1 =	sshrl.u32 s1, $0x2  }
0xbb: {  	s3 =	sand.u32 $0x4000, s31;
	s1 =	sadd.s32 s1, s30  }
0xbc: {  	s0 =	sor.u32 s3, s0;
	s1 =	sshll.u32 s1, $0x11  }
0xbd: {  	s0 =	sor.u32 s1, s0  }
0xbe: {  	s0 =	sadd.s32 $0x8F2B, s0  }
0xbf: {  	[sflag:s0] =	ssyncadd.remote.s32 $0x1  }
0xc0: {  	_ =	sfence.sel $0xFFFF  }
0xc1: {  	[dreg:$0x0] =	wrdreg $0xFFFFFFFF;
	(pc) =	sbr.abs _section_cstart, $3  }
0xc2: {  	[dreg:$0x1] =	wrdreg $0xFFFFFFFF  }
0xc3: {  	_ =	task.clear_ibuf [dreg:s8], $0x2FFFF;
	_ =	strace $0x9FFFFFFF  }
0xc4: {  	(tm) =	ssettm $0x7FFFFFFF  }
0xc5: {  	_ =	shalt  }
tec
execute0_lowered:
.L_overlay_start_1:
0x0: {  	(tag) =	ssettag $0x1  }
0x1: {  	s1 =	srdreg.scid  }
0x2: {  	s0 =	stileid.u32;
	s10 =	rddreg [dreg:$0x0]  }
0x3: {  	s9 =	rddreg [dreg:$0x1];
	s3 =	sand.u32 $0x1, s1;
	s17 =	sshll.u32 s0, $0x1  }
0x4: {  	s5 =	rddreg [dreg:$0x2];
	s2 =	simm.s32 $0x0;
	s4 =	sor.u32 s3, s17  }
0x5: {  	s1 =	rddreg [dreg:$0x3];
	s3 =	ssub.s32 $0x2, s3;
	s8 =	smul.u32 $0x3, s4  }
0x6: {  	[smem:$0x7FF] =	sst s2;
	s4 =	smul.u32 $0x180, s4;
	s12 =	sshrl.u32 s3, $0x1  }
0x7: {  	s11 =	sadd.s32 $0x1200, s5;
	_ =	strace $0x80000047;
	s12 =	ssub.s32 s3, s12  }
0x8: {  	s6 =	sshrl.u32 s8, $0x3;
	s4 =	sand.u32 $0x380, s4;
	s19 =	sshrl.u32 s8, $0x4  }
0x9: {  	s22 =	sadd.s32 $0x1, s8;
	s28 =	sadd.s32 $0x2, s8;
	s12 =	smax.u32 s12, $0x1  }
0xa: {  	s7 =	smul.u32 $0xC3800, s6;
	s6 =	sshll.u32 s6, $0x11;
	s23 =	sshrl.u32 s22, $0x3  }
0xb: {  	s13 =	sshrl.u32 s22, $0x4;
	s29 =	sshll.u32 s28, $0x7;
	s30 =	sshrl.u32 s28, $0x4  }
0xc: {  	s6 =	sor.u32 s4, s6;
	s14 =	smul.u32 $0xC3800, s23;
	s13 =	sadd.s32 $0xD, s13  }
0xd: {  	s18 =	sor.u32 s4, s7;
	s7 =	sadd.s32 $0xD, s19;
	s21 =	sshrl.u32 s6, $0x3  }
0xe: {  	s6 =	sshll.u32 s22, $0x7;
	s24 =	sshll.u32 s13, $0xE;
	s13 =	sshll.u32 s13, $0x7  }
0xf: {  	s5 =	sshrl.u32 s18, $0x3;
	s20 =	sshll.u32 s7, $0x4;
	s7 =	sshll.u32 s7, $0xB  }
0x10: {  	s15 =	sand.u32 $0x380, s6;
	s6 =	sand.u32 $0x7FFE0000, s24;
	s13 =	sand.u32 $0x380, s13  }
0x11: {  	s3 =	sadd.s32 s9, s5;
	s5 =	sand.u32 $0x70, s20;
	s7 =	sand.u32 $0xFFFC000, s7  }
0x12: {  	s14 =	sor.u32 s15, s14;
	s13 =	sor.u32 s13, s6;
	s5 =	sadd.s32 s10, s5  }
0x13: {  	s14 =	sshrl.u32 s14, $0x3;
	s13 =	sshrl.u32 s13, $0x3;
	s4 =	sadd.s32 s7, s5  }
0x14: {  	s5 =	sadd.s32 s11, s21;
	s7 =	sshll.u32 s23, $0x11;
	s6 =	sadd.s32 s9, s14  }
0x15: {  	s14 =	sshrl.u32 s28, $0x3;
	s25 =	sor.u32 s15, s7;
	s7 =	sadd.s32 s10, s13  }
0x16: {  	s13 =	sand.u32 $0x380, s29;
	s15 =	sadd.s32 $0xD, s30;
	s16 =	smul.u32 $0xC3800, s14  }
0x17: {  	s14 =	sshll.u32 s14, $0x11;
	s26 =	sshrl.u32 s25, $0x3;
	s17 =	sshll.u32 s15, $0xE  }
0x18: {  	s15 =	sshll.u32 s15, $0x7;
	s8 =	sadd.s32 s11, s26;
	s17 =	sand.u32 $0x7FFE0000, s17  }
0x19: {  	s15 =	sand.u32 $0x380, s15;
	s16 =	sor.u32 s13, s16;
	s13 =	sor.u32 s13, s14  }
0x1a: {  	s14 =	simm.s32 $0x400;
	s15 =	sor.u32 s15, s17;
	s31 =	sshrl.u32 s16, $0x3  }
0x1b: {  	s13 =	sshrl.u32 s13, $0x3;
	s16 =	simm.s32 $0x18700;
	s17 =	simm.s32 $0x0  }
0x1c: {  	s15 =	sshrl.u32 s15, $0x3;
	s9 =	sadd.s32 s9, s31;
	s11 =	sadd.s32 s11, s13  }
0x1d: {  	s13 =	simm.s32 $0x80;
	s10 =	sadd.s32 s10, s15;
	s15 =	simm.s32 $0x1  }
.LBB2_1:
0x1e: {  	[tilespmem:s2], [sflag:$0x1] =	stream.strided.gather [hbm4b:s3+s13], $0x18700, s14, s13, $0x38;
	[tilespmem:$0x1C700] =	vst v63  }
0x1f: {  	_ =	swait.ge [sflag:s15], $0x18700  }
0x20: {  	[sflag:s15] =	ssyncset.done $0x0  }
0x21: {  	[sflag:s15] =	ssyncadd.s32 $0xFFFE7900  }
0x22: {  	[tilespmem:s16], [sflag:$0x1] =	stream.strided.gather [hbm4b:s4+s13], $0x4000, s14, s13, $0x38;
	[tilespmem:$0x1C700] =	vst v63  }
0x23: {  	_ =	swait.ge [sflag:s15], $0x4000  }
0x24: {  	[sflag:s15] =	ssyncset.done $0x0  }
0x25: {  	s18 =	simm.s32 $0x0;
	s19 =	simm.s32 $0x40;
	[sflag:s15] =	ssyncadd.s32 $0xFFFFC000  }
.LBB2_2:
0x26: {  	p0 =	sne.s32 s19, $0xFFC0;
	v0 =	vld [tilespmem:s18+$0x18700];
	_ =	sdelay $0x4  }
0x27: {  	v0 =	vtrunc.f32 v0  }
0x28: {  	v0 =	vcvt.f32.s32 v0;
	_ =	sdelay $0x5  }
0x29: {  	v0 =	vld.idx.msk [tilespmem:v0+s2+$0x0], $0xffff;
	_ =	sdelay $0x1  }
.Ltmp0:
0x2a: {  	(pc) =	sbr.rel @p0 .LBB2_2-.Ltmp0, $2  }
0x2b: {  	_ =	sdelay $0x2  }
0x2c: {  	[tilespmem:s18+$0x18700] =	vst v0;
	s18 =	sshra.s32 s19, $0x2;
	s19 =	sadd.s32 $0x40, s19  }
0x2d: {  	v0 =	vld [tilespmem:s18+$0x18700];
	_ =	sdelay $0x4  }
0x2e: {  	v0 =	vtrunc.f32 v0  }
0x2f: {  	v0 =	vcvt.f32.s32 v0;
	_ =	sdelay $0x5  }
0x30: {  	v0 =	vld.idx.msk [tilespmem:v0+s2+$0x0], $0xffff;
	_ =	sdelay $0x4  }
0x31: {  	[tilespmem:s18+$0x18700] =	vst v0  }
0x32: {  	[hbm4b:s5+s13] =	stream.strided.scatter [tilespmem:s16], [sflag:$0x1], $0x4000, s14, s13, $0x38;
	[tilespmem:$0x1C700] =	vst v63  }
0x33: {  	_ =	swait.ge [sflag:s15], $0x4000  }
0x34: {  	[sflag:s15] =	ssyncset.done $0x0  }
0x35: {  	s31 =	simm.s32 $0x0;
	[sflag:s15] =	ssyncadd.s32 $0xFFFFC000  }
0x36: {  	[tilespmem:s31], [sflag:$0x1] =	stream.strided.gather [hbm4b:s6+s13], $0x18700, s14, s13, $0x38;
	[tilespmem:$0x1C700] =	vst v63  }
0x37: {  	_ =	swait.ge [sflag:s15], $0x18700  }
0x38: {  	[sflag:s15] =	ssyncset.done $0x0  }
0x39: {  	[sflag:s15] =	ssyncadd.s32 $0xFFFE7900  }
0x3a: {  	[tilespmem:s16], [sflag:$0x1] =	stream.strided.gather [hbm4b:s7+s13], $0x4000, s14, s13, $0x38;
	[tilespmem:$0x1C700] =	vst v63  }
0x3b: {  	_ =	swait.ge [sflag:s15], $0x4000  }
0x3c: {  	[sflag:s15] =	ssyncset.done $0x0  }
0x3d: {  	s19 =	simm.s32 $0x40;
	s18 =	simm.s32 $0x0;
	[sflag:s15] =	ssyncadd.s32 $0xFFFFC000  }
.LBB2_4:
0x3e: {  	p0 =	sne.s32 s19, $0xFFC0;
	v0 =	vld [tilespmem:s18+$0x18700];
	_ =	sdelay $0x4  }
0x3f: {  	v0 =	vtrunc.f32 v0  }
0x40: {  	v0 =	vcvt.f32.s32 v0;
	_ =	sdelay $0x5  }
0x41: {  	v0 =	vld.idx.msk [tilespmem:v0+s2+$0x0], $0xffff;
	_ =	sdelay $0x1  }
.Ltmp1:
0x42: {  	(pc) =	sbr.rel @p0 .LBB2_4-.Ltmp1, $2  }
0x43: {  	_ =	sdelay $0x2  }
0x44: {  	[tilespmem:s18+$0x18700] =	vst v0;
	s18 =	sshra.s32 s19, $0x2;
	s19 =	sadd.s32 $0x40, s19  }
0x45: {  	v0 =	vld [tilespmem:s18+$0x18700];
	_ =	sdelay $0x4  }
0x46: {  	v0 =	vtrunc.f32 v0  }
0x47: {  	v0 =	vcvt.f32.s32 v0;
	_ =	sdelay $0x5  }
0x48: {  	v0 =	vld.idx.msk [tilespmem:v0+s2+$0x0], $0xffff;
	_ =	sdelay $0x4  }
0x49: {  	[tilespmem:s18+$0x18700] =	vst v0  }
0x4a: {  	[hbm4b:s8+s13] =	stream.strided.scatter [tilespmem:s16], [sflag:$0x1], $0x4000, s14, s13, $0x38;
	[tilespmem:$0x1C700] =	vst v63  }
0x4b: {  	_ =	swait.ge [sflag:s15], $0x4000  }
0x4c: {  	[sflag:s15] =	ssyncset.done $0x0  }
0x4d: {  	s31 =	simm.s32 $0x0;
	[sflag:s15] =	ssyncadd.s32 $0xFFFFC000  }
0x4e: {  	[tilespmem:s31], [sflag:$0x1] =	stream.strided.gather [hbm4b:s9+s13], $0x18700, s14, s13, $0x38;
	[tilespmem:$0x1C700] =	vst v63  }
0x4f: {  	_ =	swait.ge [sflag:s15], $0x18700  }
0x50: {  	[sflag:s15] =	ssyncset.done $0x0  }
0x51: {  	[sflag:s15] =	ssyncadd.s32 $0xFFFE7900  }
0x52: {  	[tilespmem:s16], [sflag:$0x1] =	stream.strided.gather [hbm4b:s10+s13], $0x4000, s14, s13, $0x38;
	[tilespmem:$0x1C700] =	vst v63  }
0x53: {  	_ =	swait.ge [sflag:s15], $0x4000  }
0x54: {  	[sflag:s15] =	ssyncset.done $0x0  }
0x55: {  	s19 =	simm.s32 $0x40;
	s18 =	simm.s32 $0x0;
	[sflag:s15] =	ssyncadd.s32 $0xFFFFC000  }
.LBB2_6:
0x56: {  	p0 =	sne.s32 s19, $0xFFC0;
	v0 =	vld [tilespmem:s18+$0x18700];
	_ =	sdelay $0x4  }
0x57: {  	v0 =	vtrunc.f32 v0  }
0x58: {  	v0 =	vcvt.f32.s32 v0;
	_ =	sdelay $0x5  }
0x59: {  	v0 =	vld.idx.msk [tilespmem:v0+s2+$0x0], $0xffff;
	_ =	sdelay $0x1  }
.Ltmp2:
0x5a: {  	(pc) =	sbr.rel @p0 .LBB2_6-.Ltmp2, $2  }
0x5b: {  	_ =	sdelay $0x2  }
0x5c: {  	[tilespmem:s18+$0x18700] =	vst v0;
	s18 =	sshra.s32 s19, $0x2;
	s19 =	sadd.s32 $0x40, s19  }
0x5d: {  	v0 =	vld [tilespmem:s18+$0x18700];
	_ =	sdelay $0x4  }
0x5e: {  	v0 =	vtrunc.f32 v0  }
0x5f: {  	v0 =	vcvt.f32.s32 v0;
	_ =	sdelay $0x5  }
0x60: {  	v0 =	vld.idx.msk [tilespmem:v0+s2+$0x0], $0xffff;
	_ =	sdelay $0x2  }
0x61: {  	s17 =	sadd.s32 $0x1, s17  }
0x62: {  	p0 =	sne.s32 s17, s12  }
.Ltmp3:
0x63: {  	[tilespmem:s18+$0x18700] =	vst v0;
	(pc) =	sbr.rel @p0 .LBB2_1-.Ltmp3, $4  }
0x64: {  	[hbm4b:s11+s13] =	stream.strided.scatter [tilespmem:s16], [sflag:$0x1], $0x4000, s14, s13, $0x38;
	[tilespmem:$0x1C700] =	vst v63  }
0x65: {  	_ =	swait.ge [sflag:s15], $0x4000  }
0x66: {  	[sflag:s15] =	ssyncset.done $0x0  }
0x67: {  	[sflag:s15] =	ssyncadd.s32 $0xFFFFC000  }
0x68: {  	_ =	sfence.sel $0x180000  }
0x69: {  	[bflag:$0x0] =	sbarrier.arrive $0xFFFF  }
0x6a: {  	p0 =	sne.s32 s0, $0x0;
	_ =	strace $0x90000047  }
0x6b: {  	s0 =	sadd.s32 @!p0 $0x100000, s1;
	[bflag:$0x2] =	sbarrier.arrive $0xFFFF  }
0x6c: {  	[sflag:s0] =	ssyncadd.tile.s32 @!p0 $0x1;
	_ =	shalt  }
.Lfunc_end2:
_tile_overlayer_lowered:
.L_overlay_start_2:
0x6d: {  	(tag) =	ssettag $0x2  }
0x6e: {  	s0 =	rddreg [dreg:$0x0];
	s2 =	stileid.u32  }
0x6f: {  	s1 =	rddreg [dreg:$0x1];
	p0 =	sne.s32 s2, $0x0  }
0x70: {  	s3 =	rddreg [dreg:$0x2];
	[bflag:$0x3] =	sbarrier.arrive $0xFFFF;
	s2 =	simm.s32 @!p0 $0x1C01  }
0x71: {  	[timem:s3], [sflag:s2] =	dma.local @!p0 [hbm:s0], s1  }
0x72: {  	s0 =	simm.s32 @!p0 $0x1  }
0x73: {  	_ =	swait.ge @!p0 [sflag:s0], s1  }
0x74: {  	s1 =	ssub.s32 @!p0 $0x0, s1;
	[sflag:s0] =	ssyncset.done @!p0 $0x0  }
0x75: {  	[sflag:s0] =	ssyncadd.s32 @!p0 s1  }
0x76: {  	[bflag:$0x3] =	sbarrier.arrive $0xFFFF  }
0x77: {  	_ =	shalt  }

</sc_bundles>
